<compile_context>
chip_gen: v7x
topology: tpu7x:2x2x1
jax: 0.10.2.dev20260603
libtpu: 0.0.44.dev20260713+nightly
codegen_flags: <defaults>
</compile_context>

<pallas_src>
import functools

import jax
import jax.numpy as jnp
from jax import lax
from jax.experimental import pallas as pl
from jax.experimental.pallas import tpu as pltpu
from jax.experimental.pallas import tpu_sc as plsc

N_FIELDS = 26
VOCAB = 100000
EMB_DIM = 10
HIDDEN = 50
N_CLASSES = 5
N_NUM = 13
BATCH = 16384
CAT_DIM = N_FIELDS * EMB_DIM

_NC = 2
_NS = 16
_NW = _NC * _NS
_IW = 128
_R_TOTAL = BATCH * N_FIELDS
_IDX_ROWS = _R_TOTAL // _IW
_ROWS_PER_W = _IDX_ROWS // _NW
_N_CHUNKS = 4
_CHUNK_ROWS = _ROWS_PER_W // _N_CHUNKS
_CHUNK = _CHUNK_ROWS * _IW


@functools.cache
def _get_sc_gather():
    @functools.partial(
        pl.kernel,
        out_type=jax.ShapeDtypeStruct((_R_TOTAL, EMB_DIM), jnp.float32),
        mesh=plsc.VectorSubcoreMesh(
            core_axis_name="c", subcore_axis_name="s",
            num_cores=_NC, num_subcores=_NS,
        ),
        scratch_types=[
            pltpu.VMEM((_ROWS_PER_W, _IW), jnp.int32),
            pltpu.VMEM((_CHUNK, EMB_DIM), jnp.float32),
            pltpu.VMEM((_CHUNK, EMB_DIM), jnp.float32),
            pltpu.SemaphoreType.DMA,
        ],
        compiler_params=pltpu.CompilerParams(use_tc_tiling_on_sc=False),
    )
    def _sc_gather(idx_hbm, tab_hbm, out_hbm, idx_v, r0_v, r1_v, gsem):
        wid = lax.axis_index("s") * _NC + lax.axis_index("c")
        row0 = wid * _ROWS_PER_W
        pltpu.sync_copy(idx_hbm.at[pl.ds(row0, _ROWS_PER_W)], idx_v)
        bufs = [r0_v, r1_v]

        def oref(c):
            return out_hbm.at[pl.ds((row0 + c * _CHUNK_ROWS) * _IW, _CHUNK)]

        for c in range(_N_CHUNKS):
            buf = bufs[c % 2]

            def gather_one(j, _):
                pltpu.async_copy(
                    tab_hbm.at[idx_v.at[c * _CHUNK_ROWS + j]],
                    buf.at[pl.ds(j * _IW, _IW)],
                    gsem,
                ).wait()
                return 0

            lax.fori_loop(0, _CHUNK_ROWS, gather_one, 0)
            pltpu.sync_copy(buf, oref(c))

    return _sc_gather


def _mlp_body(xe_ref, xn_ref, w1a_ref, w1b_ref, b1_ref, w2_ref, b2_ref, o_ref):
    h = jnp.dot(xe_ref[...], w1a_ref[...], preferred_element_type=jnp.float32)
    h = h + jnp.dot(xn_ref[...], w1b_ref[...], preferred_element_type=jnp.float32)
    h = jnp.maximum(h + b1_ref[...], 0.0)
    l = jnp.dot(h, w2_ref[...], preferred_element_type=jnp.float32) + b2_ref[...]
    m = jnp.max(l, axis=1, keepdims=True)
    e = jnp.exp(l - m)
    o_ref[...] = e / jnp.sum(e, axis=1, keepdims=True)


_BB = 2048


def _mlp(x_emb, x_num, w1a, w1b, b1, w2, b2):
    grid = (BATCH // _BB,)
    return pl.pallas_call(
        _mlp_body,
        grid=grid,
        in_specs=[
            pl.BlockSpec((_BB, CAT_DIM), lambda i: (i, 0)),
            pl.BlockSpec((_BB, N_NUM), lambda i: (i, 0)),
            pl.BlockSpec((CAT_DIM, HIDDEN), lambda i: (0, 0)),
            pl.BlockSpec((N_NUM, HIDDEN), lambda i: (0, 0)),
            pl.BlockSpec((1, HIDDEN), lambda i: (0, 0)),
            pl.BlockSpec((HIDDEN, N_CLASSES), lambda i: (0, 0)),
            pl.BlockSpec((1, N_CLASSES), lambda i: (0, 0)),
        ],
        out_specs=pl.BlockSpec((_BB, N_CLASSES), lambda i: (i, 0)),
        out_shape=jax.ShapeDtypeStruct((BATCH, N_CLASSES), jnp.float32),
    )(x_emb, x_num, w1a, w1b, b1, w2, b2)


def kernel(x_cat1, x_cat2, x_num, tables, W1, b1, W2, b2):
    idx = jnp.concatenate(
        [x_cat1.astype(jnp.int32), x_cat2.astype(jnp.int32)], axis=1
    )
    idx = idx + (jnp.arange(N_FIELDS, dtype=jnp.int32) * VOCAB)[None, :]
    idx_rows = idx.reshape(_IDX_ROWS, _IW)
    tab = tables.reshape(N_FIELDS * VOCAB, EMB_DIM)
    x_emb = _get_sc_gather()(idx_rows, tab).reshape(BATCH, CAT_DIM)
    return _mlp(
        x_emb,
        x_num,
        W1[:CAT_DIM],
        W1[CAT_DIM:],
        b1.reshape(1, HIDDEN),
        W2,
        b2.reshape(1, N_CLASSES),
    )

# --- scband reference (transcript-rebuilt; emitter-appended) ---
"""Pipeline reference for scband-dnn-75814762709715 (READ-ONLY COPY).

The authoritative reference and input builder live on the scoring server;
editing this copy changes nothing except your own understanding.
"""

import jax, jax.numpy as jnp
import numpy as np

N_FIELDS_1 = 8
N_FIELDS_2 = 18
N_FIELDS = N_FIELDS_1 + N_FIELDS_2
VOCAB = 100000
EMB_DIM = 10
HIDDEN = 50
N_CLASSES = 5
N_NUM = 13
BATCH = 16384


def setup_inputs(seed: int = 0) -> dict:
    key = jax.random.key(seed)
    ks = jax.random.split(key, 8)
    x_cat1 = jax.random.randint(ks[0], (BATCH, N_FIELDS_1), 0, VOCAB, dtype=jnp.int64 if jax.config.jax_enable_x64 else jnp.int32)
    x_cat2 = jax.random.randint(ks[1], (BATCH, N_FIELDS_2), 0, VOCAB, dtype=jnp.int64 if jax.config.jax_enable_x64 else jnp.int32)
    x_num = jax.random.normal(ks[2], (BATCH, N_NUM), dtype=jnp.float32)
    # 26 embedding tables, stacked: [26, vocab, emb_dim] (one per categorical column)
    tables = jax.random.normal(ks[3], (N_FIELDS, VOCAB, EMB_DIM), dtype=jnp.float32) * 0.05
    num_inputs = N_FIELDS * EMB_DIM + N_NUM
    W1 = jax.random.normal(ks[4], (num_inputs, HIDDEN), dtype=jnp.float32) * 0.05
    b1 = jnp.zeros((HIDDEN,), dtype=jnp.float32)
    W2 = jax.random.normal(ks[5], (HIDDEN, N_CLASSES), dtype=jnp.float32) * 0.05
    b2 = jnp.zeros((N_CLASSES,), dtype=jnp.float32)
    return {"x_cat1": x_cat1, "x_cat2": x_cat2, "x_num": x_num,
            "tables": tables, "W1": W1, "b1": b1, "W2": W2, "b2": b2}


def reference(x_cat1, x_cat2, x_num, tables, W1, b1, W2, b2):
    x_emb_list = []
    for i in range(N_FIELDS_1):
        x_emb_list.append(jnp.take(tables[i], x_cat1[:, i], axis=0))
    for i in range(N_FIELDS_2):
        x_emb_list.append(jnp.take(tables[N_FIELDS_1 + i], x_cat2[:, i], axis=0))
    x_cat = jnp.concatenate(x_emb_list, axis=1)
    x = jnp.concatenate((x_cat, x_num.astype(jnp.float32)), axis=1)
    x = x @ W1 + b1
    x = jax.nn.relu(x)
    x = x @ W2 + b2
    x = jax.nn.softmax(x, axis=1)
    return x

if __name__ == "__main__":
    import jax
    _d = setup_inputs()
    print(jax.jit(kernel)(*tuple(_d.values())))

</pallas_src>

<mosaic_0001>
#map = affine_map<(d0, d1) -> (0, 0)>
module attributes {stable_mosaic.version = 14 : i64} {
  func.func @_sc_gather(%arg0: i32, %arg1: i32, %arg2: memref<3328x128xi32, #tpu.memory_space<hbm>>, %arg3: memref<2600000x10xf32, #tpu.memory_space<hbm>>, %arg4: memref<425984x10xf32, #tpu.memory_space<hbm>>, %arg5: memref<104x128xi32, #tpu.memory_space<vmem>>, %arg6: memref<3328x10xf32, #tpu.memory_space<vmem>>, %arg7: memref<3328x10xf32, #tpu.memory_space<vmem>>, %arg8: memref<!tpu.dma_semaphore, #tpu.memory_space<semaphore_mem>>) attributes {dimension_semantics = [#tpu.dimension_semantics<core_parallel>, #tpu.dimension_semantics<subcore_parallel>], iteration_bounds = array<i64: 2, 16>, scalar_prefetch = 0 : i64, scratch_operands = 4 : i64, tpu.core_type = #tpu.core_type<sc_vector_subcore>, window_params = [{transform_indices = #map}, {transform_indices = #map}, {transform_indices = #map}]} {
    %mul3A = arith.constant 2 : i32
    %mul3A_0 = arith.muli %arg1, %mul3A : i32
    %add3A = arith.addi %mul3A_0, %arg0 : i32
    %mul3A_1 = arith.constant 104 : i32
    %mul3A_2 = arith.muli %add3A, %mul3A_1 : i32
    "tpu.region"() ({
      %run_scoped3A = tpu.sem_alloc : memref<!tpu.dma_semaphore, #tpu.memory_space<semaphore_mem>>
      %dma_start3A = arith.constant 0 : i32
      %dma_start3A_46 = tpu.memref_slice %arg2[%mul3A_2, %dma_start3A] : memref<3328x128xi32, #tpu.memory_space<hbm>> -> memref<104x128xi32, #tpu.memory_space<hbm>>
      %dma_start3A_47 = arith.constant 0 : i32
      %dma_start3A_48 = tpu.memref_slice %arg2[%mul3A_2, %dma_start3A_47] : memref<3328x128xi32, #tpu.memory_space<hbm>> -> memref<104x128xi32, #tpu.memory_space<hbm>>
      tpu.enqueue_dma source(%dma_start3A_48 : memref<104x128xi32, #tpu.memory_space<hbm>>) target(%arg5 : memref<104x128xi32, #tpu.memory_space<vmem>>) target_semaphore(%run_scoped3A : memref<!tpu.dma_semaphore, #tpu.memory_space<semaphore_mem>>)
      %dma_wait3A = arith.constant 0 : i32
      %dma_wait3A_49 = tpu.memref_slice %arg2[%mul3A_2, %dma_wait3A] : memref<3328x128xi32, #tpu.memory_space<hbm>> -> memref<104x128xi32, #tpu.memory_space<hbm>>
      %dma_wait3A_50 = arith.constant 0 : i32
      %dma_wait3A_51 = tpu.memref_slice %arg2[%mul3A_2, %dma_wait3A_50] : memref<3328x128xi32, #tpu.memory_space<hbm>> -> memref<104x128xi32, #tpu.memory_space<hbm>>
      tpu.wait_dma2 semaphore(%run_scoped3A : memref<!tpu.dma_semaphore, #tpu.memory_space<semaphore_mem>>) src(%dma_wait3A_51 : memref<104x128xi32, #tpu.memory_space<hbm>>) dst(%arg5 : memref<104x128xi32, #tpu.memory_space<vmem>>)
      tpu.yield
    }) : () -> ()
    %scan3A = arith.constant 0 : i32
    %scan3A_3 = arith.constant 0 : i32
    %scan3A_4 = arith.constant 26 : i32
    %scan3A_5 = arith.addi %scan3A_3, %scan3A_4 : i32
    %scan3A_6 = arith.constant 1 : i32
    %scan3A_7 = scf.for %scan3A_46 = %scan3A_3 to %scan3A_5 step %scan3A_6 iter_args(%scan3A_47 = %scan3A) -> (i32)  : i32 {
      %add3A_48 = arith.constant 0 : i32
      %add3A_49 = arith.addi %add3A_48, %scan3A_46 : i32
      %mul3A_50 = arith.constant 128 : i32
      %mul3A_51 = arith.muli %scan3A_46, %mul3A_50 : i32
      %dma_start3A = arith.constant 0 : i32
      %dma_start3A_52 = tpu.memref_slice %arg6[%mul3A_51, %dma_start3A] : memref<3328x10xf32, #tpu.memory_space<vmem>> -> memref<128x10xf32, #tpu.memory_space<vmem>>
      %dma_start3A_53 = arith.constant 0 : i32
      %dma_start3A_54 = tpu.memref_slice %arg5[%add3A_49, %dma_start3A_53] : memref<104x128xi32, #tpu.memory_space<vmem>> -> memref<1x128xi32, #tpu.memory_space<vmem>>
      %dma_start3A_55 = tpu.memref_squeeze %dma_start3A_54 : memref<1x128xi32, #tpu.memory_space<vmem>> -> memref<128xi32, #tpu.memory_space<vmem>>
      %dma_start3A_56 = arith.constant 0 : i32
      %dma_start3A_57 = arith.constant 0 : i32
      %dma_start3A_58 = tpu.memref_slice %arg3[%dma_start3A_56, %dma_start3A_57] : memref<2600000x10xf32, #tpu.memory_space<hbm>> -> memref<2600000x10xf32, #tpu.memory_space<hbm>>
      tpu.enqueue_indirect_dma source(%dma_start3A_58 : memref<2600000x10xf32, #tpu.memory_space<hbm>>) target(%dma_start3A_52 : memref<128x10xf32, #tpu.memory_space<vmem>>) offsets(%dma_start3A_55 : memref<128xi32, #tpu.memory_space<vmem>>) semaphore(%arg8 : memref<!tpu.dma_semaphore, #tpu.memory_space<semaphore_mem>>)
      %dma_wait3A = arith.constant 0 : i32
      %dma_wait3A_59 = tpu.memref_slice %arg6[%mul3A_51, %dma_wait3A] : memref<3328x10xf32, #tpu.memory_space<vmem>> -> memref<128x10xf32, #tpu.memory_space<vmem>>
      %dma_wait3A_60 = arith.constant 0 : i32
      %dma_wait3A_61 = tpu.memref_slice %arg5[%add3A_49, %dma_wait3A_60] : memref<104x128xi32, #tpu.memory_space<vmem>> -> memref<1x128xi32, #tpu.memory_space<vmem>>
      %dma_wait3A_62 = tpu.memref_squeeze %dma_wait3A_61 : memref<1x128xi32, #tpu.memory_space<vmem>> -> memref<128xi32, #tpu.memory_space<vmem>>
      %dma_wait3A_63 = arith.constant 0 : i32
      %dma_wait3A_64 = arith.constant 0 : i32
      %dma_wait3A_65 = tpu.memref_slice %arg3[%dma_wait3A_63, %dma_wait3A_64] : memref<2600000x10xf32, #tpu.memory_space<hbm>> -> memref<2600000x10xf32, #tpu.memory_space<hbm>>
      tpu.wait_indirect_dma semaphore(%arg8 : memref<!tpu.dma_semaphore, #tpu.memory_space<semaphore_mem>>) src(%dma_wait3A_65 : memref<2600000x10xf32, #tpu.memory_space<hbm>>) dst(%dma_wait3A_59 : memref<128x10xf32, #tpu.memory_space<vmem>>)
      %scan3A_66 = arith.constant 0 : i32
      scf.yield %scan3A_66 : i32
    }
    %scan3A_8 = arith.constant 26 : i32
    %add3A_9 = arith.constant 0 : i32
    %add3A_10 = arith.addi %mul3A_2, %add3A_9 : i32
    %mul3A_11 = arith.constant 128 : i32
    %mul3A_12 = arith.muli %add3A_10, %mul3A_11 : i32
    "tpu.region"() ({
      %run_scoped3A = tpu.sem_alloc : memref<!tpu.dma_semaphore, #tpu.memory_space<semaphore_mem>>
      %dma_start3A = arith.constant 0 : i32
      %dma_start3A_46 = tpu.memref_slice %arg4[%mul3A_12, %dma_start3A] : memref<425984x10xf32, #tpu.memory_space<hbm>> -> memref<3328x10xf32, #tpu.memory_space<hbm>>
      %dma_start3A_47 = arith.constant 0 : i32
      %dma_start3A_48 = tpu.memref_slice %arg4[%mul3A_12, %dma_start3A_47] : memref<425984x10xf32, #tpu.memory_space<hbm>> -> memref<3328x10xf32, #tpu.memory_space<hbm>>
      tpu.enqueue_dma source(%arg6 : memref<3328x10xf32, #tpu.memory_space<vmem>>) target(%dma_start3A_48 : memref<3328x10xf32, #tpu.memory_space<hbm>>) target_semaphore(%run_scoped3A : memref<!tpu.dma_semaphore, #tpu.memory_space<semaphore_mem>>)
      %dma_wait3A = arith.constant 0 : i32
      %dma_wait3A_49 = tpu.memref_slice %arg4[%mul3A_12, %dma_wait3A] : memref<425984x10xf32, #tpu.memory_space<hbm>> -> memref<3328x10xf32, #tpu.memory_space<hbm>>
      %dma_wait3A_50 = arith.constant 0 : i32
      %dma_wait3A_51 = tpu.memref_slice %arg4[%mul3A_12, %dma_wait3A_50] : memref<425984x10xf32, #tpu.memory_space<hbm>> -> memref<3328x10xf32, #tpu.memory_space<hbm>>
      tpu.wait_dma2 semaphore(%run_scoped3A : memref<!tpu.dma_semaphore, #tpu.memory_space<semaphore_mem>>) src(%arg6 : memref<3328x10xf32, #tpu.memory_space<vmem>>) dst(%dma_wait3A_51 : memref<3328x10xf32, #tpu.memory_space<hbm>>)
      tpu.yield
    }) : () -> ()
    %scan3A_13 = arith.constant 0 : i32
    %scan3A_14 = arith.constant 0 : i32
    %scan3A_15 = arith.constant 26 : i32
    %scan3A_16 = arith.addi %scan3A_14, %scan3A_15 : i32
    %scan3A_17 = arith.constant 1 : i32
    %scan3A_18 = scf.for %scan3A_46 = %scan3A_14 to %scan3A_16 step %scan3A_17 iter_args(%scan3A_47 = %scan3A_13) -> (i32)  : i32 {
      %add3A_48 = arith.constant 26 : i32
      %add3A_49 = arith.addi %add3A_48, %scan3A_46 : i32
      %mul3A_50 = arith.constant 128 : i32
      %mul3A_51 = arith.muli %scan3A_46, %mul3A_50 : i32
      %dma_start3A = arith.constant 0 : i32
      %dma_start3A_52 = tpu.memref_slice %arg7[%mul3A_51, %dma_start3A] : memref<3328x10xf32, #tpu.memory_space<vmem>> -> memref<128x10xf32, #tpu.memory_space<vmem>>
      %dma_start3A_53 = arith.constant 0 : i32
      %dma_start3A_54 = tpu.memref_slice %arg5[%add3A_49, %dma_start3A_53] : memref<104x128xi32, #tpu.memory_space<vmem>> -> memref<1x128xi32, #tpu.memory_space<vmem>>
      %dma_start3A_55 = tpu.memref_squeeze %dma_start3A_54 : memref<1x128xi32, #tpu.memory_space<vmem>> -> memref<128xi32, #tpu.memory_space<vmem>>
      %dma_start3A_56 = arith.constant 0 : i32
      %dma_start3A_57 = arith.constant 0 : i32
      %dma_start3A_58 = tpu.memref_slice %arg3[%dma_start3A_56, %dma_start3A_57] : memref<2600000x10xf32, #tpu.memory_space<hbm>> -> memref<2600000x10xf32, #tpu.memory_space<hbm>>
      tpu.enqueue_indirect_dma source(%dma_start3A_58 : memref<2600000x10xf32, #tpu.memory_space<hbm>>) target(%dma_start3A_52 : memref<128x10xf32, #tpu.memory_space<vmem>>) offsets(%dma_start3A_55 : memref<128xi32, #tpu.memory_space<vmem>>) semaphore(%arg8 : memref<!tpu.dma_semaphore, #tpu.memory_space<semaphore_mem>>)
      %dma_wait3A = arith.constant 0 : i32
      %dma_wait3A_59 = tpu.memref_slice %arg7[%mul3A_51, %dma_wait3A] : memref<3328x10xf32, #tpu.memory_space<vmem>> -> memref<128x10xf32, #tpu.memory_space<vmem>>
      %dma_wait3A_60 = arith.constant 0 : i32
      %dma_wait3A_61 = tpu.memref_slice %arg5[%add3A_49, %dma_wait3A_60] : memref<104x128xi32, #tpu.memory_space<vmem>> -> memref<1x128xi32, #tpu.memory_space<vmem>>
      %dma_wait3A_62 = tpu.memref_squeeze %dma_wait3A_61 : memref<1x128xi32, #tpu.memory_space<vmem>> -> memref<128xi32, #tpu.memory_space<vmem>>
      %dma_wait3A_63 = arith.constant 0 : i32
      %dma_wait3A_64 = arith.constant 0 : i32
      %dma_wait3A_65 = tpu.memref_slice %arg3[%dma_wait3A_63, %dma_wait3A_64] : memref<2600000x10xf32, #tpu.memory_space<hbm>> -> memref<2600000x10xf32, #tpu.memory_space<hbm>>
      tpu.wait_indirect_dma semaphore(%arg8 : memref<!tpu.dma_semaphore, #tpu.memory_space<semaphore_mem>>) src(%dma_wait3A_65 : memref<2600000x10xf32, #tpu.memory_space<hbm>>) dst(%dma_wait3A_59 : memref<128x10xf32, #tpu.memory_space<vmem>>)
      %scan3A_66 = arith.constant 0 : i32
      scf.yield %scan3A_66 : i32
    }
    %scan3A_19 = arith.constant 26 : i32
    %add3A_20 = arith.constant 26 : i32
    %add3A_21 = arith.addi %mul3A_2, %add3A_20 : i32
    %mul3A_22 = arith.constant 128 : i32
    %mul3A_23 = arith.muli %add3A_21, %mul3A_22 : i32
    "tpu.region"() ({
      %run_scoped3A = tpu.sem_alloc : memref<!tpu.dma_semaphore, #tpu.memory_space<semaphore_mem>>
      %dma_start3A = arith.constant 0 : i32
      %dma_start3A_46 = tpu.memref_slice %arg4[%mul3A_23, %dma_start3A] : memref<425984x10xf32, #tpu.memory_space<hbm>> -> memref<3328x10xf32, #tpu.memory_space<hbm>>
      %dma_start3A_47 = arith.constant 0 : i32
      %dma_start3A_48 = tpu.memref_slice %arg4[%mul3A_23, %dma_start3A_47] : memref<425984x10xf32, #tpu.memory_space<hbm>> -> memref<3328x10xf32, #tpu.memory_space<hbm>>
      tpu.enqueue_dma source(%arg7 : memref<3328x10xf32, #tpu.memory_space<vmem>>) target(%dma_start3A_48 : memref<3328x10xf32, #tpu.memory_space<hbm>>) target_semaphore(%run_scoped3A : memref<!tpu.dma_semaphore, #tpu.memory_space<semaphore_mem>>)
      %dma_wait3A = arith.constant 0 : i32
      %dma_wait3A_49 = tpu.memref_slice %arg4[%mul3A_23, %dma_wait3A] : memref<425984x10xf32, #tpu.memory_space<hbm>> -> memref<3328x10xf32, #tpu.memory_space<hbm>>
      %dma_wait3A_50 = arith.constant 0 : i32
      %dma_wait3A_51 = tpu.memref_slice %arg4[%mul3A_23, %dma_wait3A_50] : memref<425984x10xf32, #tpu.memory_space<hbm>> -> memref<3328x10xf32, #tpu.memory_space<hbm>>
      tpu.wait_dma2 semaphore(%run_scoped3A : memref<!tpu.dma_semaphore, #tpu.memory_space<semaphore_mem>>) src(%arg7 : memref<3328x10xf32, #tpu.memory_space<vmem>>) dst(%dma_wait3A_51 : memref<3328x10xf32, #tpu.memory_space<hbm>>)
      tpu.yield
    }) : () -> ()
    %scan3A_24 = arith.constant 0 : i32
    %scan3A_25 = arith.constant 0 : i32
    %scan3A_26 = arith.constant 26 : i32
    %scan3A_27 = arith.addi %scan3A_25, %scan3A_26 : i32
    %scan3A_28 = arith.constant 1 : i32
    %scan3A_29 = scf.for %scan3A_46 = %scan3A_25 to %scan3A_27 step %scan3A_28 iter_args(%scan3A_47 = %scan3A_24) -> (i32)  : i32 {
      %add3A_48 = arith.constant 52 : i32
      %add3A_49 = arith.addi %add3A_48, %scan3A_46 : i32
      %mul3A_50 = arith.constant 128 : i32
      %mul3A_51 = arith.muli %scan3A_46, %mul3A_50 : i32
      %dma_start3A = arith.constant 0 : i32
      %dma_start3A_52 = tpu.memref_slice %arg6[%mul3A_51, %dma_start3A] : memref<3328x10xf32, #tpu.memory_space<vmem>> -> memref<128x10xf32, #tpu.memory_space<vmem>>
      %dma_start3A_53 = arith.constant 0 : i32
      %dma_start3A_54 = tpu.memref_slice %arg5[%add3A_49, %dma_start3A_53] : memref<104x128xi32, #tpu.memory_space<vmem>> -> memref<1x128xi32, #tpu.memory_space<vmem>>
      %dma_start3A_55 = tpu.memref_squeeze %dma_start3A_54 : memref<1x128xi32, #tpu.memory_space<vmem>> -> memref<128xi32, #tpu.memory_space<vmem>>
      %dma_start3A_56 = arith.constant 0 : i32
      %dma_start3A_57 = arith.constant 0 : i32
      %dma_start3A_58 = tpu.memref_slice %arg3[%dma_start3A_56, %dma_start3A_57] : memref<2600000x10xf32, #tpu.memory_space<hbm>> -> memref<2600000x10xf32, #tpu.memory_space<hbm>>
      tpu.enqueue_indirect_dma source(%dma_start3A_58 : memref<2600000x10xf32, #tpu.memory_space<hbm>>) target(%dma_start3A_52 : memref<128x10xf32, #tpu.memory_space<vmem>>) offsets(%dma_start3A_55 : memref<128xi32, #tpu.memory_space<vmem>>) semaphore(%arg8 : memref<!tpu.dma_semaphore, #tpu.memory_space<semaphore_mem>>)
      %dma_wait3A = arith.constant 0 : i32
      %dma_wait3A_59 = tpu.memref_slice %arg6[%mul3A_51, %dma_wait3A] : memref<3328x10xf32, #tpu.memory_space<vmem>> -> memref<128x10xf32, #tpu.memory_space<vmem>>
      %dma_wait3A_60 = arith.constant 0 : i32
      %dma_wait3A_61 = tpu.memref_slice %arg5[%add3A_49, %dma_wait3A_60] : memref<104x128xi32, #tpu.memory_space<vmem>> -> memref<1x128xi32, #tpu.memory_space<vmem>>
      %dma_wait3A_62 = tpu.memref_squeeze %dma_wait3A_61 : memref<1x128xi32, #tpu.memory_space<vmem>> -> memref<128xi32, #tpu.memory_space<vmem>>
      %dma_wait3A_63 = arith.constant 0 : i32
      %dma_wait3A_64 = arith.constant 0 : i32
      %dma_wait3A_65 = tpu.memref_slice %arg3[%dma_wait3A_63, %dma_wait3A_64] : memref<2600000x10xf32, #tpu.memory_space<hbm>> -> memref<2600000x10xf32, #tpu.memory_space<hbm>>
      tpu.wait_indirect_dma semaphore(%arg8 : memref<!tpu.dma_semaphore, #tpu.memory_space<semaphore_mem>>) src(%dma_wait3A_65 : memref<2600000x10xf32, #tpu.memory_space<hbm>>) dst(%dma_wait3A_59 : memref<128x10xf32, #tpu.memory_space<vmem>>)
      %scan3A_66 = arith.constant 0 : i32
      scf.yield %scan3A_66 : i32
    }
    %scan3A_30 = arith.constant 26 : i32
    %add3A_31 = arith.constant 52 : i32
    %add3A_32 = arith.addi %mul3A_2, %add3A_31 : i32
    %mul3A_33 = arith.constant 128 : i32
    %mul3A_34 = arith.muli %add3A_32, %mul3A_33 : i32
    "tpu.region"() ({
      %run_scoped3A = tpu.sem_alloc : memref<!tpu.dma_semaphore, #tpu.memory_space<semaphore_mem>>
      %dma_start3A = arith.constant 0 : i32
      %dma_start3A_46 = tpu.memref_slice %arg4[%mul3A_34, %dma_start3A] : memref<425984x10xf32, #tpu.memory_space<hbm>> -> memref<3328x10xf32, #tpu.memory_space<hbm>>
      %dma_start3A_47 = arith.constant 0 : i32
      %dma_start3A_48 = tpu.memref_slice %arg4[%mul3A_34, %dma_start3A_47] : memref<425984x10xf32, #tpu.memory_space<hbm>> -> memref<3328x10xf32, #tpu.memory_space<hbm>>
      tpu.enqueue_dma source(%arg6 : memref<3328x10xf32, #tpu.memory_space<vmem>>) target(%dma_start3A_48 : memref<3328x10xf32, #tpu.memory_space<hbm>>) target_semaphore(%run_scoped3A : memref<!tpu.dma_semaphore, #tpu.memory_space<semaphore_mem>>)
      %dma_wait3A = arith.constant 0 : i32
      %dma_wait3A_49 = tpu.memref_slice %arg4[%mul3A_34, %dma_wait3A] : memref<425984x10xf32, #tpu.memory_space<hbm>> -> memref<3328x10xf32, #tpu.memory_space<hbm>>
      %dma_wait3A_50 = arith.constant 0 : i32
      %dma_wait3A_51 = tpu.memref_slice %arg4[%mul3A_34, %dma_wait3A_50] : memref<425984x10xf32, #tpu.memory_space<hbm>> -> memref<3328x10xf32, #tpu.memory_space<hbm>>
      tpu.wait_dma2 semaphore(%run_scoped3A : memref<!tpu.dma_semaphore, #tpu.memory_space<semaphore_mem>>) src(%arg6 : memref<3328x10xf32, #tpu.memory_space<vmem>>) dst(%dma_wait3A_51 : memref<3328x10xf32, #tpu.memory_space<hbm>>)
      tpu.yield
    }) : () -> ()
    %scan3A_35 = arith.constant 0 : i32
    %scan3A_36 = arith.constant 0 : i32
    %scan3A_37 = arith.constant 26 : i32
    %scan3A_38 = arith.addi %scan3A_36, %scan3A_37 : i32
    %scan3A_39 = arith.constant 1 : i32
    %scan3A_40 = scf.for %scan3A_46 = %scan3A_36 to %scan3A_38 step %scan3A_39 iter_args(%scan3A_47 = %scan3A_35) -> (i32)  : i32 {
      %add3A_48 = arith.constant 78 : i32
      %add3A_49 = arith.addi %add3A_48, %scan3A_46 : i32
      %mul3A_50 = arith.constant 128 : i32
      %mul3A_51 = arith.muli %scan3A_46, %mul3A_50 : i32
      %dma_start3A = arith.constant 0 : i32
      %dma_start3A_52 = tpu.memref_slice %arg7[%mul3A_51, %dma_start3A] : memref<3328x10xf32, #tpu.memory_space<vmem>> -> memref<128x10xf32, #tpu.memory_space<vmem>>
      %dma_start3A_53 = arith.constant 0 : i32
      %dma_start3A_54 = tpu.memref_slice %arg5[%add3A_49, %dma_start3A_53] : memref<104x128xi32, #tpu.memory_space<vmem>> -> memref<1x128xi32, #tpu.memory_space<vmem>>
      %dma_start3A_55 = tpu.memref_squeeze %dma_start3A_54 : memref<1x128xi32, #tpu.memory_space<vmem>> -> memref<128xi32, #tpu.memory_space<vmem>>
      %dma_start3A_56 = arith.constant 0 : i32
      %dma_start3A_57 = arith.constant 0 : i32
      %dma_start3A_58 = tpu.memref_slice %arg3[%dma_start3A_56, %dma_start3A_57] : memref<2600000x10xf32, #tpu.memory_space<hbm>> -> memref<2600000x10xf32, #tpu.memory_space<hbm>>
      tpu.enqueue_indirect_dma source(%dma_start3A_58 : memref<2600000x10xf32, #tpu.memory_space<hbm>>) target(%dma_start3A_52 : memref<128x10xf32, #tpu.memory_space<vmem>>) offsets(%dma_start3A_55 : memref<128xi32, #tpu.memory_space<vmem>>) semaphore(%arg8 : memref<!tpu.dma_semaphore, #tpu.memory_space<semaphore_mem>>)
      %dma_wait3A = arith.constant 0 : i32
      %dma_wait3A_59 = tpu.memref_slice %arg7[%mul3A_51, %dma_wait3A] : memref<3328x10xf32, #tpu.memory_space<vmem>> -> memref<128x10xf32, #tpu.memory_space<vmem>>
      %dma_wait3A_60 = arith.constant 0 : i32
      %dma_wait3A_61 = tpu.memref_slice %arg5[%add3A_49, %dma_wait3A_60] : memref<104x128xi32, #tpu.memory_space<vmem>> -> memref<1x128xi32, #tpu.memory_space<vmem>>
      %dma_wait3A_62 = tpu.memref_squeeze %dma_wait3A_61 : memref<1x128xi32, #tpu.memory_space<vmem>> -> memref<128xi32, #tpu.memory_space<vmem>>
      %dma_wait3A_63 = arith.constant 0 : i32
      %dma_wait3A_64 = arith.constant 0 : i32
      %dma_wait3A_65 = tpu.memref_slice %arg3[%dma_wait3A_63, %dma_wait3A_64] : memref<2600000x10xf32, #tpu.memory_space<hbm>> -> memref<2600000x10xf32, #tpu.memory_space<hbm>>
      tpu.wait_indirect_dma semaphore(%arg8 : memref<!tpu.dma_semaphore, #tpu.memory_space<semaphore_mem>>) src(%dma_wait3A_65 : memref<2600000x10xf32, #tpu.memory_space<hbm>>) dst(%dma_wait3A_59 : memref<128x10xf32, #tpu.memory_space<vmem>>)
      %scan3A_66 = arith.constant 0 : i32
      scf.yield %scan3A_66 : i32
    }
    %scan3A_41 = arith.constant 26 : i32
    %add3A_42 = arith.constant 78 : i32
    %add3A_43 = arith.addi %mul3A_2, %add3A_42 : i32
    %mul3A_44 = arith.constant 128 : i32
    %mul3A_45 = arith.muli %add3A_43, %mul3A_44 : i32
    "tpu.region"() ({
      %run_scoped3A = tpu.sem_alloc : memref<!tpu.dma_semaphore, #tpu.memory_space<semaphore_mem>>
      %dma_start3A = arith.constant 0 : i32
      %dma_start3A_46 = tpu.memref_slice %arg4[%mul3A_45, %dma_start3A] : memref<425984x10xf32, #tpu.memory_space<hbm>> -> memref<3328x10xf32, #tpu.memory_space<hbm>>
      %dma_start3A_47 = arith.constant 0 : i32
      %dma_start3A_48 = tpu.memref_slice %arg4[%mul3A_45, %dma_start3A_47] : memref<425984x10xf32, #tpu.memory_space<hbm>> -> memref<3328x10xf32, #tpu.memory_space<hbm>>
      tpu.enqueue_dma source(%arg7 : memref<3328x10xf32, #tpu.memory_space<vmem>>) target(%dma_start3A_48 : memref<3328x10xf32, #tpu.memory_space<hbm>>) target_semaphore(%run_scoped3A : memref<!tpu.dma_semaphore, #tpu.memory_space<semaphore_mem>>)
      %dma_wait3A = arith.constant 0 : i32
      %dma_wait3A_49 = tpu.memref_slice %arg4[%mul3A_45, %dma_wait3A] : memref<425984x10xf32, #tpu.memory_space<hbm>> -> memref<3328x10xf32, #tpu.memory_space<hbm>>
      %dma_wait3A_50 = arith.constant 0 : i32
      %dma_wait3A_51 = tpu.memref_slice %arg4[%mul3A_45, %dma_wait3A_50] : memref<425984x10xf32, #tpu.memory_space<hbm>> -> memref<3328x10xf32, #tpu.memory_space<hbm>>
      tpu.wait_dma2 semaphore(%run_scoped3A : memref<!tpu.dma_semaphore, #tpu.memory_space<semaphore_mem>>) src(%arg7 : memref<3328x10xf32, #tpu.memory_space<vmem>>) dst(%dma_wait3A_51 : memref<3328x10xf32, #tpu.memory_space<hbm>>)
      tpu.yield
    }) : () -> ()
    return
  }
}

module attributes {stable_mosaic.version = 14 : i64} {
  func.func @_mlp_body(%arg0: i32, %arg1: memref<2048x260xf32, #tpu.memory_space<vmem>>, %arg2: memref<2048x13xf32, #tpu.memory_space<vmem>>, %arg3: memref<260x50xf32, #tpu.memory_space<vmem>>, %arg4: memref<13x50xf32, #tpu.memory_space<vmem>>, %arg5: memref<1x50xf32, #tpu.memory_space<vmem>>, %arg6: memref<50x5xf32, #tpu.memory_space<vmem>>, %arg7: memref<1x5xf32, #tpu.memory_space<vmem>>, %arg8: memref<2048x5xf32, #tpu.memory_space<vmem>>) attributes {dimension_semantics = [#tpu.dimension_semantics<arbitrary>], iteration_bounds = array<i64: 8>, scalar_prefetch = 0 : i64, scratch_operands = 0 : i64, tpu.core_type = #tpu.core_type<tc>, window_params = [{transform_indices = @transform_0, window_bounds = array<i64: 2048, 260>}, {transform_indices = @transform_1, window_bounds = array<i64: 2048, 13>}, {pipeline_mode = #tpu.pipeline_mode<synchronous>, transform_indices = @transform_2, window_bounds = array<i64: 260, 50>}, {pipeline_mode = #tpu.pipeline_mode<synchronous>, transform_indices = @transform_3, window_bounds = array<i64: 13, 50>}, {pipeline_mode = #tpu.pipeline_mode<synchronous>, transform_indices = @transform_4, window_bounds = array<i64: 1, 50>}, {pipeline_mode = #tpu.pipeline_mode<synchronous>, transform_indices = @transform_5, window_bounds = array<i64: 50, 5>}, {pipeline_mode = #tpu.pipeline_mode<synchronous>, transform_indices = @transform_6, window_bounds = array<i64: 1, 5>}, {transform_indices = @transform_7, window_bounds = array<i64: 2048, 5>}]} {
    %get3A = arith.constant 0 : index
    %get3A_0 = arith.constant 0 : index
    %get3A_1 = vector.load %arg1[%get3A, %get3A_0] : memref<2048x260xf32, #tpu.memory_space<vmem>>, vector<2048x260xf32>
    %get3A_2 = arith.constant 0 : index
    %get3A_3 = arith.constant 0 : index
    %get3A_4 = vector.load %arg3[%get3A_2, %get3A_3] : memref<260x50xf32, #tpu.memory_space<vmem>>, vector<260x50xf32>
    %dot_general3A = arith.constant dense<0.000000e+00> : vector<2048x50xf32>
    %dot_general3A_5 = tpu.matmul %get3A_1, %get3A_4, %dot_general3A {dimension_numbers = #tpu.dot_dimension_numbers<[1], [0], [0], [1], [0, 0, 1, 1], [], []>, transpose_lhs_hint = false} : vector<2048x260xf32>, vector<260x50xf32>, vector<2048x50xf32> -> vector<2048x50xf32>
    %get3A_6 = arith.constant 0 : index
    %get3A_7 = arith.constant 0 : index
    %get3A_8 = vector.load %arg2[%get3A_6, %get3A_7] : memref<2048x13xf32, #tpu.memory_space<vmem>>, vector<2048x13xf32>
    %get3A_9 = arith.constant 0 : index
    %get3A_10 = arith.constant 0 : index
    %get3A_11 = vector.load %arg4[%get3A_9, %get3A_10] : memref<13x50xf32, #tpu.memory_space<vmem>>, vector<13x50xf32>
    %dot_general3A_12 = arith.constant dense<0.000000e+00> : vector<2048x50xf32>
    %dot_general3A_13 = tpu.matmul %get3A_8, %get3A_11, %dot_general3A_12 {dimension_numbers = #tpu.dot_dimension_numbers<[1], [0], [0], [1], [0, 0, 1, 1], [], []>, transpose_lhs_hint = false} : vector<2048x13xf32>, vector<13x50xf32>, vector<2048x50xf32> -> vector<2048x50xf32>
    %add3A = arith.addf %dot_general3A_5, %dot_general3A_13 : vector<2048x50xf32>
    %get3A_14 = arith.constant 0 : index
    %get3A_15 = arith.constant 0 : index
    %get3A_16 = vector.load %arg5[%get3A_14, %get3A_15] : memref<1x50xf32, #tpu.memory_space<vmem>>, vector<1x50xf32>
    %add3A_17 = vector.broadcast %get3A_16 : vector<1x50xf32> to vector<2048x50xf32>
    %add3A_18 = arith.addf %add3A, %add3A_17 : vector<2048x50xf32>
    %max3A = arith.constant 0.000000e+00 : f32
    %max3A_19 = vector.broadcast %max3A : f32 to vector<2048x50xf32>
    %max3A_20 = arith.maximumf %add3A_18, %max3A_19 : vector<2048x50xf32>
    %get3A_21 = arith.constant 0 : index
    %get3A_22 = arith.constant 0 : index
    %get3A_23 = vector.load %arg6[%get3A_21, %get3A_22] : memref<50x5xf32, #tpu.memory_space<vmem>>, vector<50x5xf32>
    %dot_general3A_24 = arith.constant dense<0.000000e+00> : vector<2048x5xf32>
    %dot_general3A_25 = tpu.matmul %max3A_20, %get3A_23, %dot_general3A_24 {dimension_numbers = #tpu.dot_dimension_numbers<[1], [0], [0], [1], [0, 0, 1, 1], [], []>, transpose_lhs_hint = false} : vector<2048x50xf32>, vector<50x5xf32>, vector<2048x5xf32> -> vector<2048x5xf32>
    %get3A_26 = arith.constant 0 : index
    %get3A_27 = arith.constant 0 : index
    %get3A_28 = vector.load %arg7[%get3A_26, %get3A_27] : memref<1x5xf32, #tpu.memory_space<vmem>>, vector<1x5xf32>
    %add3A_29 = vector.broadcast %get3A_28 : vector<1x5xf32> to vector<2048x5xf32>
    %add3A_30 = arith.addf %dot_general3A_25, %add3A_29 : vector<2048x5xf32>
    %reduce_max3A = arith.constant dense<0xFF800000> : vector<2048xf32>
    %reduce_max3A_31 = vector.multi_reduction <maximumf>, %add3A_30, %reduce_max3A [1] : vector<2048x5xf32> to vector<2048xf32>
    %broadcast_in_dim3A = vector.shape_cast %reduce_max3A_31 : vector<2048xf32> to vector<2048x1xf32>
    %sub3A = vector.broadcast %broadcast_in_dim3A : vector<2048x1xf32> to vector<2048x5xf32>
    %sub3A_32 = arith.subf %add3A_30, %sub3A : vector<2048x5xf32>
    %exp3A = math.exp %sub3A_32 : vector<2048x5xf32>
    %reduce_sum3A = arith.constant dense<0.000000e+00> : vector<2048xf32>
    %reduce_sum3A_33 = vector.multi_reduction <add>, %exp3A, %reduce_sum3A [1] : vector<2048x5xf32> to vector<2048xf32>
    %broadcast_in_dim3A_34 = vector.shape_cast %reduce_sum3A_33 : vector<2048xf32> to vector<2048x1xf32>
    %div3A = vector.broadcast %broadcast_in_dim3A_34 : vector<2048x1xf32> to vector<2048x5xf32>
    %div3A_35 = arith.divf %exp3A, %div3A : vector<2048x5xf32>
    %swap3A = arith.constant 0 : index
    %swap3A_36 = arith.constant 0 : index
    %swap3A_37 = vector.load %arg8[%swap3A, %swap3A_36] : memref<2048x5xf32, #tpu.memory_space<vmem>>, vector<2048x5xf32>
    tpu.vector_store %arg8[%swap3A, %swap3A_36], %div3A_35 {strides = array<i32>} : memref<2048x5xf32, #tpu.memory_space<vmem>>, vector<2048x5xf32>,
    return
  }
  func.func @transform_0(%arg0: i32) -> (i32, i32) {
    %c0_i32 = arith.constant 0 : i32
    %c0_i32_0 = arith.constant 0 : i32
    return %arg0, %c0_i32 : i32, i32
  }
  func.func @transform_1(%arg0: i32) -> (i32, i32) {
    %c0_i32 = arith.constant 0 : i32
    %c0_i32_0 = arith.constant 0 : i32
    return %arg0, %c0_i32 : i32, i32
  }
  func.func @transform_2(%arg0: i32) -> (i32, i32) {
    %c0_i32 = arith.constant 0 : i32
    %c0_i32_0 = arith.constant 0 : i32
    %c0_i32_1 = arith.constant 0 : i32
    return %c0_i32, %c0_i32_0 : i32, i32
  }
  func.func @transform_3(%arg0: i32) -> (i32, i32) {
    %c0_i32 = arith.constant 0 : i32
    %c0_i32_0 = arith.constant 0 : i32
    %c0_i32_1 = arith.constant 0 : i32
    return %c0_i32, %c0_i32_0 : i32, i32
  }
  func.func @transform_4(%arg0: i32) -> (i32, i32) {
    %c0_i32 = arith.constant 0 : i32
    %c0_i32_0 = arith.constant 0 : i32
    %c0_i32_1 = arith.constant 0 : i32
    return %c0_i32, %c0_i32_0 : i32, i32
  }
  func.func @transform_5(%arg0: i32) -> (i32, i32) {
    %c0_i32 = arith.constant 0 : i32
    %c0_i32_0 = arith.constant 0 : i32
    %c0_i32_1 = arith.constant 0 : i32
    return %c0_i32, %c0_i32_0 : i32, i32
  }
  func.func @transform_6(%arg0: i32) -> (i32, i32) {
    %c0_i32 = arith.constant 0 : i32
    %c0_i32_0 = arith.constant 0 : i32
    %c0_i32_1 = arith.constant 0 : i32
    return %c0_i32, %c0_i32_0 : i32, i32
  }
  func.func @transform_7(%arg0: i32) -> (i32, i32) {
    %c0_i32 = arith.constant 0 : i32
    %c0_i32_0 = arith.constant 0 : i32
    return %arg0, %c0_i32 : i32, i32
  }
}

</mosaic_0001>

<sc_bundles>
// kernel: kernel.4.cloned.1.call-start
scs
__scs_entry_jumppad:
0x0: {  	(pc) =	sbr.rel $0x88, $3  }
0x1: {  	(tag) =	ssettag $0x0;
	lr =	simm.s32 $0x1  }
0x2: {  	[smem:$0x3F99] =	sst lr;
	_ =	strace $0xD0000000  }
0x3: {  	_ = 	snop  }
0x4: {  	_ = 	snop  }
0x5: {  	_ = 	snop  }
0x6: {  	_ = 	snop  }
0x7: {  	_ = 	snop  }
__scs_overlays_trampoline_lowered:
0x8: {  	[smem:$0x3FA8] =	sst s0  }
0x9: {  	[smem:$0x3FA9] =	sst s1  }
0xa: {  	[smem:$0x3FAA] =	sst s2  }
0xb: {  	[smem:$0x3FAB] =	sst s3  }
0xc: {  	[smem:$0x3FAC] =	sst s4  }
0xd: {  	[smem:$0x3FAD] =	sst s5  }
0xe: {  	[smem:$0x3FAE] =	sst s6  }
0xf: {  	[smem:$0x3FAF] =	sst s7  }
0x10: {  	[smem:$0x3FB0] =	sst s8  }
0x11: {  	[smem:$0x3FB1] =	sst s9;
	s0 =	simm.s32 @!p0 $0x0  }
0x12: {  	s1 =	sld [smem:$0x3F97];
	s0 =	simm.s32 @p0 $0x1  }
0x13: {  	[smem:$0x3FB2] =	sst s0;
	s0 =	simm.s32 @!p1 $0x0  }
0x14: {  	s2 =	sld [smem:$0x3F96];
	s0 =	simm.s32 @p1 $0x1  }
0x15: {  	[smem:$0x3FB3] =	sst s0;
	s0 =	simm.s32 @!p2 $0x0  }
0x16: {  	s3 =	sld [smem:$0x3FDB];
	s0 =	simm.s32 @p2 $0x1  }
0x17: {  	s4 =	simm.s32 $0x1BF5;
	[smem:$0x3FB5] =	sst s0  }
0x18: {  	s0 =	sld [smem:$0x3F98];
	_ =	swait.ge [sflag:s4], $0x0  }
0x19: {  	s7 =	sld [smem:$0x3F99]  }
0x1a: {  	s8 =	sadd.s32 $0xFFFFE003, lr  }
0x1b: {  	s9 =	sadd.s32 $0xFFFFFEF7, lr;
	s5 =	simm.s32 $0xFFFFFFFF;
	p2 =	slt.u32 s8, $0xFFFFF086  }
0x1c: {  	p1 =	slt.u32 s9, $0xF7A;
	s5 =	simm.s32 @!p2 $0x0  }
0x1d: {  	s5 =	simm.s32 @p1 $0x1;
	p0 =	seq.s32 s7, s2  }
0x1e: {  	s7 =	smul.u32 @!p0 $0xF7A, s2;
	p2 =	seq.s32 @!p0 s5, $0x0  }
0x1f: {  	s9 =	smul.u32 $0xF7A, s1;
	s8 =	simm.s32 @!p0 $0x1BF5;
	p2 =	por !p2, p0  }
0x20: {  	[sflag:s8] =	ssyncset.s32 @!p0 $0xFFFFF086;
	s6 =	sadd.s32 @!p0 s3, s7;
	s7 =	simm.s32 @!p0 $0x108  }
0x21: {  	s3 =	sadd.s32 s3, s9;
	s6 =	sadd.s32 @!p0 $0x88, s6;
	s7 =	simm.s32 @p2 $0x1082  }
0x22: {  	[simem:s7], [sflag:s8] =	dma.local @!p0 [hbm:s6], $0xF7A  }
0x23: {  	s9 =	sor.u32 $0xD0000000, s2;
	s6 =	simm.s32 $0x108;
	_ =	swait.ge @!p0 [sflag:s8], $0x0  }
0x24: {  	s3 =	sadd.s32 $0x88, s3;
	s6 =	simm.s32 @!p1 $0x1082;
	[sflag:s4] =	ssyncset.s32 $0xFFFFF086  }
0x25: {  	[simem:s6], [sflag:s4] =	dma.local [hbm:s3], $0xF7A  }
0x26: {  	[smem:$0x3F99] =	sst s1;
	(tag) =	ssettag s2;
	_ =	strace s9  }
0x27: {  	s1 =	sld [smem:$0x3FA9]  }
0x28: {  	s2 =	sld [smem:$0x3FAA]  }
0x29: {  	s4 =	sld [smem:$0x3FAC]  }
0x2a: {  	p0 =	seq.s32 s5, $0x0;
	s5 =	sld [smem:$0x3FAD]  }
0x2b: {  	s6 =	sld [smem:$0x3FAE]  }
0x2c: {  	s7 =	sld [smem:$0x3FAF]  }
0x2d: {  	s3 =	simm.s32 $0x108;
	s8 =	sld [smem:$0x3FB0]  }
0x2e: {  	s3 =	simm.s32 @!p0 $0x1082;
	s9 =	sld [smem:$0x3FB1]  }
0x2f: {  	lr =	sadd.s32 s0, s3;
	s0 =	sld [smem:$0x3FA8]  }
0x30: {  	s3 =	sld [smem:$0x3FAB]  }
0x31: {  	[smem:$0x3FB4] =	sst s10  }
0x32: {  	s10 =	sld [smem:$0x3FB2];
	_ =	sdelay $0x3  }
0x33: {  	p0 =	seq.s32 s10, $0x1;
	s10 =	sld [smem:$0x3FB4];
	_ =	sdelay $0x3  }
0x34: {  	[smem:$0x3FB4] =	sst s10  }
0x35: {  	s10 =	sld [smem:$0x3FB3];
	_ =	sdelay $0x3  }
0x36: {  	p1 =	seq.s32 s10, $0x1;
	s10 =	sld [smem:$0x3FB4];
	_ =	sdelay $0x3  }
0x37: {  	[smem:$0x3FB4] =	sst s10  }
0x38: {  	s10 =	sld [smem:$0x3FB5]  }
0x39: {  	_ = 	snop;
	(pc) =	sbr.ind lr, $3  }
0x3a: {  	_ = 	snop  }
0x3b: {  	_ = 	snop  }
0x3c: {  	p2 =	seq.s32 s10, $0x1;
	s10 =	sld [smem:$0x3FB4]  }
0x3d: {  	_ =	shalt  }
0x3e: {  	_ =	shalt  }
0x3f: {  	_ =	shalt  }
0x40: {  	_ =	shalt  }
0x41: {  	_ =	shalt  }
0x42: {  	_ =	shalt  }
0x43: {  	_ =	shalt  }
0x44: {  	_ =	shalt  }
0x45: {  	_ =	shalt  }
0x46: {  	_ =	shalt  }
0x47: {  	_ =	shalt  }
0x48: {  	_ =	shalt  }
0x49: {  	_ =	shalt  }
0x4a: {  	_ =	shalt  }
0x4b: {  	_ =	shalt  }
0x4c: {  	_ =	shalt  }
0x4d: {  	_ =	shalt  }
0x4e: {  	_ =	shalt  }
0x4f: {  	_ =	shalt  }
0x50: {  	_ =	shalt  }
0x51: {  	_ =	shalt  }
0x52: {  	_ =	shalt  }
0x53: {  	_ =	shalt  }
0x54: {  	_ =	shalt  }
0x55: {  	_ =	shalt  }
0x56: {  	_ =	shalt  }
0x57: {  	_ =	shalt  }
0x58: {  	_ =	shalt  }
0x59: {  	_ =	shalt  }
0x5a: {  	_ =	shalt  }
0x5b: {  	_ =	shalt  }
0x5c: {  	_ =	shalt  }
0x5d: {  	_ =	shalt  }
0x5e: {  	_ =	shalt  }
0x5f: {  	_ =	shalt  }
0x60: {  	_ =	shalt  }
0x61: {  	_ =	shalt  }
0x62: {  	_ =	shalt  }
0x63: {  	_ =	shalt  }
0x64: {  	_ =	shalt  }
0x65: {  	_ =	shalt  }
0x66: {  	_ =	shalt  }
0x67: {  	_ =	shalt  }
0x68: {  	_ =	shalt  }
0x69: {  	_ =	shalt  }
0x6a: {  	_ =	shalt  }
0x6b: {  	_ =	shalt  }
0x6c: {  	_ =	shalt  }
0x6d: {  	_ =	shalt  }
0x6e: {  	_ =	shalt  }
0x6f: {  	_ =	shalt  }
0x70: {  	_ =	shalt  }
0x71: {  	_ =	shalt  }
0x72: {  	_ =	shalt  }
0x73: {  	_ =	shalt  }
0x74: {  	_ =	shalt  }
0x75: {  	_ =	shalt  }
0x76: {  	_ =	shalt  }
0x77: {  	_ =	shalt  }
0x78: {  	_ =	shalt  }
0x79: {  	_ =	shalt  }
0x7a: {  	_ =	shalt  }
0x7b: {  	_ =	shalt  }
0x7c: {  	_ =	shalt  }
0x7d: {  	_ =	shalt  }
0x7e: {  	_ =	shalt  }
0x7f: {  	_ =	shalt  }
0x80: {  	_ =	shalt  }
0x81: {  	_ =	shalt  }
0x82: {  	_ =	shalt  }
0x83: {  	_ =	shalt  }
0x84: {  	_ =	shalt  }
0x85: {  	_ =	shalt  }
0x86: {  	_ =	shalt  }
0x87: {  	_ =	shalt  }
.Lfunc_end0:
.L_simem_size_0:
called_computation_lowered:
.L_overlay_start_0:
0x88: {  	s2 =	sld [smem:$0x3FD9]  }
0x89: {  	s3 =	sld [smem:$0x3FFE];
	_ =	sdelay $0x1  }
0x8a: {  	s1 =	srdreg.scid  }
0x8b: {  	s0 =	sand.u32 $0x1, s1  }
0x8c: {  	s16 =	sshll.u32 s0, $0xA;
	s2 =	sadd.s32 s3, s2  }
0x8d: {  	s2 =	sadd.s32 s2, s16  }
0x8e: {  	[smem:$0x3FC0] =	sst s2  }
0x8f: {  	_ = 	snop  }
0x90: {  	(tm) =	ssettm $0x1  }
0x91: {  	s17 =	sld [smem:$0x3FFB];
	_ =	sdelay $0x3  }
0x92: {  	_ =	strace s17  }
0x93: {  	s2 =	sld [smem:$0x3FFC];
	_ =	sdelay $0x3  }
0x94: {  	_ =	strace s2  }
0x95: {  	s2 =	sld [smem:$0x3FFD];
	_ =	sdelay $0x3  }
0x96: {  	_ =	strace s2  }
0x97: {  	_ =	strace $0x8FFFFFFF  }
0x98: {  	s18 =	sld [smem:$0x3FDB];
	_ =	sdelay $0x1  }
0x99: {  	s19 =	simm.s32 $_scs_section_size  }
0x9a: {  	s4 =	simm.s32 $_size__tile_overlayer_lowered;
	s5 =	simm.s32 $_tile_overlayer_lowered  }
0x9b: {  	s22 =	simm.s32 $0x1BFF;
	s21 =	sshll.u32 s5, $0x1;
	s2 =	sadd.s32 s19, s18  }
0x9c: {  	s6 =	simm.s32 $0x0;
	s20 =	sshll.u32 s4, $0x1;
	s4 =	sadd.s32 s21, s2  }
0x9d: {  	[timem:s6], [sflag:s22] =	dma.local [hbm:s4], s20  }
0x9e: {  	_ =	swait.ge [sflag:s22], s20  }
0x9f: {  	s3 =	ssub.s32 $0x0, s20;
	[sflag:s22] =	ssyncset.done $0x0  }
0xa0: {  	[sflag:s22] =	ssyncadd.s32 s3;
	_ =	sdelay $0x1  }
0xa1: {  	s23 =	simm.s32 $0x1B8B  }
0xa2: {  	_ =	swait.ge [sflag:s23], $0x1  }
0xa3: {  	[sflag:s23] =	ssyncset.done $0x0  }
0xa4: {  	s25 =	simm.s32 $0x1B8E;
	s24 =	sld [smem:$0x3FFE];
	[sflag:s23] =	ssyncadd.s32 $0xFFFFFFFF  }
0xa5: {  	s26 =	simm.s32 $execute0_lowered;
	[smem:$0x3FD2] =	sst s25  }
0xa6: {  	s4 =	sshll.u32 s26, $0x1;
	_ =	strace $0x80000046;
	[dreg:$0x1] =	wrdreg $0xFFFFFFFF  }
0xa7: {  	s28 =	simm.s32 $_size_execute0_lowered;
	s2 =	sadd.s32 s2, s4;
	[dreg:$0x0] =	wrdreg $0x0  }
0xa8: {  	s4 =	sshll.u32 s28, $0x1;
	[dreg:$0x2] =	wrdreg s2  }
0xa9: {  	[dreg:$0x3] =	wrdreg s4  }
0xaa: {  	[dreg:$0x4] =	wrdreg $0xC0  }
0xab: {  	_ =	task [dreg:s6], $0x5FFFF  }
0xac: {  	[dreg:$0x1] =	wrdreg $0xFFFFFFFF  }
0xad: {  	[dreg:$0x0] =	wrdreg $0x60  }
0xae: {  	[dreg:$0x2] =	wrdreg s24  }
0xaf: {  	[dreg:$0x3] =	wrdreg $0x9  }
0xb0: {  	_ =	task.clear_ibuf [dreg:s6], $0x4FFFF;
	_ =	strace $0x90000046  }
0xb1: {  	s29 =	simm.s32 $0x9;
	_ =	strace $0x80000048  }
0xb2: {  	_ =	swait.ge [sflag:s29], $0x1  }
0xb3: {  	[sflag:s29] =	ssyncadd.s32 $0xFFFFFFFF  }
0xb4: {  	_ =	strace $0x90000048  }
0xb5: {  	_ =	sfence  }
0xb6: {  	s30 =	sld [smem:$0x0];
	_ =	sdelay $0x2  }
0xb7: {  	s31 =	sshll.u32 s1, $0xD;
	s1 =	sshrl.u32 s1, $0x2  }
0xb8: {  	s3 =	sand.u32 $0x4000, s31;
	s1 =	sadd.s32 s1, s30  }
0xb9: {  	s0 =	sor.u32 s3, s0;
	s1 =	sshll.u32 s1, $0x11  }
0xba: {  	s0 =	sor.u32 s1, s0  }
0xbb: {  	s0 =	sadd.s32 $0x8F2B, s0  }
0xbc: {  	[sflag:s0] =	ssyncadd.remote.s32 $0x1  }
0xbd: {  	_ =	sfence.sel $0xFFFF  }
0xbe: {  	[dreg:$0x0] =	wrdreg $0xFFFFFFFF;
	(pc) =	sbr.abs _section_cstart, $3  }
0xbf: {  	[dreg:$0x1] =	wrdreg $0xFFFFFFFF  }
0xc0: {  	_ =	task.clear_ibuf [dreg:s6], $0x2FFFF;
	_ =	strace $0x9FFFFFFF  }
0xc1: {  	(tm) =	ssettm $0x7FFFFFFF  }
tec
execute0_lowered:
.L_overlay_start_1:
0x0: {  	(tag) =	ssettag $0x1  }
0x1: {  	s1 =	srdreg.scid  }
0x2: {  	s0 =	stileid.u32;
	s3 =	rddreg [dreg:$0x0]  }
0x3: {  	s2 =	simm.s32 $0x0;
	s11 =	simm.s32 $0x80;
	s12 =	simm.s32 $0x1  }
0x4: {  	s13 =	simm.s32 $0x3400;
	s4 =	sand.u32 $0x1, s1;
	s5 =	sshll.u32 s0, $0x1  }
0x5: {  	s14 =	simm.s32 $0x10400;
	s1 =	rddreg [dreg:$0x1];
	s5 =	sor.u32 s4, s5  }
0x6: {  	s15 =	simm.s32 $0x0;
	[smem:$0x7FF] =	sst s2;
	s6 =	smul.u32 $0x680, s5  }
0x7: {  	s8 =	sadd.s32 $0x503E00, s3;
	s4 =	ssub.s32 $0x2, s4;
	s7 =	smul.u32 $0x34000, s5  }
0x8: {  	_ =	strace $0x80000047;
	s9 =	sshrl.u32 s4, $0x1;
	s5 =	smul.u32 $0x6800, s5  }
0x9: {  	s9 =	ssub.s32 s4, s9;
	s6 =	sadd.s32 s6, s3;
	s7 =	sshrl.u32 s7, $0x3  }
0xa: {  	s3 =	sadd.s32 $0x1400, s3;
	s5 =	sadd.s32 s8, s5;
	s10 =	sadd.s32 s8, s7  }
0xb: {  	s9 =	smax.u32 s9, $0x1;
	s4 =	sadd.s32 $0x4F6E00, s6;
	s6 =	sadd.s32 $0x1A00, s10  }
0xc: {  	s7 =	sadd.s32 $0x3400, s10;
	s8 =	sadd.s32 $0x4E00, s10;
	s10 =	simm.s32 $0x2  }
.LBB2_1:
0xd: {  	[tilespmem:s2], [sflag:$0x2] =	stream.linear.gather [hbm4b:s4+s2], $0x3400, $0x38;
	[tilespmem:$0x1D400] =	vst v63  }
0xe: {  	_ =	swait.ge [sflag:s10], $0x3400  }
0xf: {  	[sflag:s10] =	ssyncset.done $0x0  }
0x10: {  	s16 =	simm.s32 $0x0;
	[sflag:s10] =	ssyncadd.s32 $0xFFFFCC00  }
0x11: {  	[tilespmem:s13], [sflag:$0x1] =	stream.indirect.gather [hbm4b:s3+s11], $0xA, s16, s11, $0xb8;
	[tilespmem:$0x1D400] =	vst v63  }
0x12: {  	_ =	swait.ge [sflag:s12], $0x500  }
0x13: {  	s17 =	simm.s32 $0x3400;
	s16 =	simm.s32 $0x200;
	[sflag:s12] =	ssyncset.done $0x0  }
.LBB2_2:
0x14: {  	s18 =	sshra.s32 s16, $0x2  }
0x15: {  	[sflag:s12] =	ssyncadd.s32 $0xFFFFFB00;
	s17 =	sadd.s32 $0x800, s17;
	p0 =	sne.s32 s16, $0x3200  }
0x16: {  	[tilespmem:s17], [sflag:$0x1] =	stream.indirect.gather [hbm4b:s3+s11], $0xA, s18, s11, $0xb8;
	[tilespmem:$0x1D400] =	vst v63  }
.Ltmp0:
0x17: {  	_ = 	snop;
	(pc) =	sbr.rel @p0 .LBB2_2-.Ltmp0, $4  }
0x18: {  	_ = 	snop  }
0x19: {  	s16 =	sadd.s32 $0x200, s16  }
0x1a: {  	_ =	swait.ge [sflag:s12], $0x500  }
0x1b: {  	[sflag:s12] =	ssyncset.done $0x0  }
0x1c: {  	[sflag:s12] =	ssyncadd.s32 $0xFFFFFB00;
	s16 =	simm.s32 $0x0  }
0x1d: {  	[hbm4b:s5+s16] =	stream.linear.scatter [tilespmem:s13], [sflag:$0x2], $0xD000, $0x38;
	[tilespmem:$0x1D400] =	vst v63  }
0x1e: {  	_ =	swait.ge [sflag:s10], $0xD000  }
0x1f: {  	[sflag:s10] =	ssyncset.done $0x0  }
0x20: {  	s17 =	simm.s32 $0xD00;
	s16 =	simm.s32 $0x10400;
	[sflag:s10] =	ssyncadd.s32 $0xFFFF3000  }
0x21: {  	[tilespmem:s16], [sflag:$0x1] =	stream.indirect.gather [hbm4b:s3+s11], $0xA, s17, s11, $0xb8;
	[tilespmem:$0x1D400] =	vst v63  }
0x22: {  	s17 =	simm.s32 $0x200;
	_ =	swait.ge [sflag:s12], $0x500  }
.LBB2_4:
0x23: {  	s18 =	sshra.s32 s17, $0x2  }
0x24: {  	[sflag:s12] =	ssyncset.done $0x0;
	s16 =	sadd.s32 $0x800, s16;
	p0 =	sne.s32 s17, $0x3200  }
.Ltmp1:
0x25: {  	s18 =	sadd.s32 $0xD00, s18;
	[sflag:s12] =	ssyncadd.s32 $0xFFFFFB00;
	(pc) =	sbr.rel @p0 .LBB2_4-.Ltmp1, $3  }
0x26: {  	[tilespmem:s16], [sflag:$0x1] =	stream.indirect.gather [hbm4b:s3+s11], $0xA, s18, s11, $0xb8;
	[tilespmem:$0x1D400] =	vst v63  }
0x27: {  	s17 =	sadd.s32 $0x200, s17;
	_ =	sdelay $0x1  }
0x28: {  	_ =	swait.ge [sflag:s12], $0x500  }
0x29: {  	[sflag:s12] =	ssyncset.done $0x0  }
0x2a: {  	s16 =	simm.s32 $0x0;
	[sflag:s12] =	ssyncadd.s32 $0xFFFFFB00  }
0x2b: {  	[hbm4b:s6+s16] =	stream.linear.scatter [tilespmem:s14], [sflag:$0x2], $0xD000, $0x38;
	[tilespmem:$0x1D400] =	vst v63  }
0x2c: {  	_ =	swait.ge [sflag:s10], $0xD000  }
0x2d: {  	[sflag:s10] =	ssyncset.done $0x0  }
0x2e: {  	s17 =	simm.s32 $0x1A00;
	s16 =	simm.s32 $0x3400;
	[sflag:s10] =	ssyncadd.s32 $0xFFFF3000  }
0x2f: {  	[tilespmem:s16], [sflag:$0x1] =	stream.indirect.gather [hbm4b:s3+s11], $0xA, s17, s11, $0xb8;
	[tilespmem:$0x1D400] =	vst v63  }
0x30: {  	s17 =	simm.s32 $0x200;
	_ =	swait.ge [sflag:s12], $0x500  }
.LBB2_6:
0x31: {  	s18 =	sshra.s32 s17, $0x2  }
0x32: {  	[sflag:s12] =	ssyncset.done $0x0;
	s16 =	sadd.s32 $0x800, s16;
	p0 =	sne.s32 s17, $0x3200  }
.Ltmp2:
0x33: {  	s18 =	sadd.s32 $0x1A00, s18;
	[sflag:s12] =	ssyncadd.s32 $0xFFFFFB00;
	(pc) =	sbr.rel @p0 .LBB2_6-.Ltmp2, $3  }
0x34: {  	[tilespmem:s16], [sflag:$0x1] =	stream.indirect.gather [hbm4b:s3+s11], $0xA, s18, s11, $0xb8;
	[tilespmem:$0x1D400] =	vst v63  }
0x35: {  	s17 =	sadd.s32 $0x200, s17;
	_ =	sdelay $0x1  }
0x36: {  	_ =	swait.ge [sflag:s12], $0x500  }
0x37: {  	[sflag:s12] =	ssyncset.done $0x0  }
0x38: {  	s16 =	simm.s32 $0x0;
	[sflag:s12] =	ssyncadd.s32 $0xFFFFFB00  }
0x39: {  	[hbm4b:s7+s16] =	stream.linear.scatter [tilespmem:s13], [sflag:$0x2], $0xD000, $0x38;
	[tilespmem:$0x1D400] =	vst v63  }
0x3a: {  	_ =	swait.ge [sflag:s10], $0xD000  }
0x3b: {  	[sflag:s10] =	ssyncset.done $0x0  }
0x3c: {  	s17 =	simm.s32 $0x2700;
	s16 =	simm.s32 $0x10400;
	[sflag:s10] =	ssyncadd.s32 $0xFFFF3000  }
0x3d: {  	[tilespmem:s16], [sflag:$0x1] =	stream.indirect.gather [hbm4b:s3+s11], $0xA, s17, s11, $0xb8;
	[tilespmem:$0x1D400] =	vst v63  }
0x3e: {  	s17 =	simm.s32 $0x200;
	_ =	swait.ge [sflag:s12], $0x500  }
.LBB2_8:
0x3f: {  	s18 =	sshra.s32 s17, $0x2  }
0x40: {  	[sflag:s12] =	ssyncset.done $0x0;
	s16 =	sadd.s32 $0x800, s16;
	p0 =	sne.s32 s17, $0x3200  }
.Ltmp3:
0x41: {  	s18 =	sadd.s32 $0x2700, s18;
	[sflag:s12] =	ssyncadd.s32 $0xFFFFFB00;
	(pc) =	sbr.rel @p0 .LBB2_8-.Ltmp3, $3  }
0x42: {  	[tilespmem:s16], [sflag:$0x1] =	stream.indirect.gather [hbm4b:s3+s11], $0xA, s18, s11, $0xb8;
	[tilespmem:$0x1D400] =	vst v63  }
0x43: {  	s17 =	sadd.s32 $0x200, s17;
	_ =	sdelay $0x1  }
0x44: {  	_ =	swait.ge [sflag:s12], $0x500  }
0x45: {  	s15 =	sadd.s32 $0x1, s15  }
0x46: {  	[sflag:s12] =	ssyncset.done $0x0;
	p0 =	sne.s32 s15, s9  }
.Ltmp4:
0x47: {  	[sflag:s12] =	ssyncadd.s32 $0xFFFFFB00;
	(pc) =	sbr.rel @p0 .LBB2_1-.Ltmp4, $4  }
0x48: {  	[hbm4b:s8+s2] =	stream.linear.scatter [tilespmem:s14], [sflag:$0x2], $0xD000, $0x38;
	[tilespmem:$0x1D400] =	vst v63  }
0x49: {  	_ =	swait.ge [sflag:s10], $0xD000  }
0x4a: {  	[sflag:s10] =	ssyncset.done $0x0  }
0x4b: {  	[sflag:s10] =	ssyncadd.s32 $0xFFFF3000  }
0x4c: {  	_ =	sfence.sel $0x180000  }
0x4d: {  	[bflag:$0x0] =	sbarrier.arrive $0xFFFF  }
0x4e: {  	p0 =	sne.s32 s0, $0x0;
	_ =	strace $0x90000047  }
0x4f: {  	s0 =	sadd.s32 @!p0 $0x100000, s1;
	[bflag:$0x2] =	sbarrier.arrive $0xFFFF  }
0x50: {  	[sflag:s0] =	ssyncadd.tile.s32 @!p0 $0x1;
	_ =	shalt  }
.Lfunc_end2:
_tile_overlayer_lowered:
.L_overlay_start_2:
0x51: {  	(tag) =	ssettag $0x2  }
0x52: {  	s0 =	rddreg [dreg:$0x0];
	s2 =	stileid.u32  }
0x53: {  	s1 =	rddreg [dreg:$0x1];
	p0 =	sne.s32 s2, $0x0  }
0x54: {  	s3 =	rddreg [dreg:$0x2];
	[bflag:$0x3] =	sbarrier.arrive $0xFFFF;
	s2 =	simm.s32 @!p0 $0x1C02  }
0x55: {  	[timem:s3], [sflag:s2] =	dma.local @!p0 [hbm:s0], s1  }
0x56: {  	s0 =	simm.s32 @!p0 $0x2  }
0x57: {  	_ =	swait.ge @!p0 [sflag:s0], s1  }
0x58: {  	s1 =	ssub.s32 @!p0 $0x0, s1;
	[sflag:s0] =	ssyncset.done @!p0 $0x0  }
0x59: {  	[sflag:s0] =	ssyncadd.s32 @!p0 s1  }
0x5a: {  	[bflag:$0x3] =	sbarrier.arrive $0xFFFF  }
0x5b: {  	_ =	shalt  }

</sc_bundles>
